<compile_context>
chip_gen: v7x
topology: tpu7x:2x2x1
jax: 0.10.2.dev20260603
libtpu: 0.0.44.dev20260713+nightly
codegen_flags: <defaults>
</compile_context>

<pallas_src>
import functools

import jax
import jax.numpy as jnp
from jax import lax
from jax.experimental import pallas as pl
from jax.experimental.pallas import tpu as pltpu
from jax.experimental.pallas import tpu_sc as plsc

BATCH = 16384
DIM = 128
L = 16
NC = 2
NS = 16
NW = NC * NS
BPW = BATCH // NW
GCH = 128
NG = BPW // GCH

ROWS_BLK = 1024


def _gather_body(feat_hbm, w_hbm, out_hbm, idx_v, wg_v, sem_g):
    c = lax.axis_index("c")
    s = lax.axis_index("s")
    wid = s * NC + c
    pltpu.sync_copy(feat_hbm.at[wid], idx_v)
    gathers = [
        pltpu.async_copy(w_hbm.at[idx_v.at[j]], wg_v.at[pl.ds(j * GCH, GCH)], sem_g)
        for j in range(NG)
    ]
    for g in gathers:
        g.wait()
    pltpu.sync_copy(wg_v, out_hbm.at[pl.ds(wid * BPW, BPW)])


def _sc_gather(feat3d, weights_flat):
    mesh = plsc.VectorSubcoreMesh(core_axis_name="c", subcore_axis_name="s")
    kern = functools.partial(
        pl.kernel,
        mesh=mesh,
        out_type=jax.ShapeDtypeStruct((BATCH,), jnp.float32),
        scratch_types=[
            pltpu.VMEM((NG, GCH), jnp.int32),
            pltpu.VMEM((BPW,), jnp.float32),
            pltpu.SemaphoreType.DMA,
        ],
    )(_gather_body)
    return kern(feat3d, weights_flat)


NQ = 8
QROWS = BATCH // NQ
QSTEPS = QROWS // ROWS_BLK


def _norms_body(*refs):
    f_refs, o_refs = refs[:NQ], refs[NQ:]
    for f_ref, o_ref in zip(f_refs, o_refs):
        sq = f_ref[...] * f_ref[...]
        o_ref[...] = jnp.sum(jnp.transpose(sq), axis=0).reshape(1, ROWS_BLK)


def _tc_norms(factor):
    in_specs = [
        pl.BlockSpec((ROWS_BLK, DIM), (lambda i, _q=q: (_q * QSTEPS + i, 0)))
        for q in range(NQ)
    ]
    out_specs = [pl.BlockSpec((1, ROWS_BLK), lambda i: (0, i)) for _ in range(NQ)]
    return pl.pallas_call(
        _norms_body,
        grid=(QSTEPS,),
        in_specs=in_specs,
        out_specs=out_specs,
        out_shape=[jax.ShapeDtypeStruct((1, QROWS), jnp.float32)] * NQ,
    )(*([factor] * NQ))


def _dot_body(*refs):
    w_ref, n_refs, o_ref = refs[0], refs[1:1 + NQ], refs[1 + NQ]
    w = w_ref[...]
    total = jnp.float32(0.0)
    for q, n_ref in enumerate(n_refs):
        total = total + jnp.sum(w[:, q * QROWS:(q + 1) * QROWS] * n_ref[...])
    o_ref[0, 0] = total


def _tc_dot(w2d, norm_parts):
    return pl.pallas_call(
        _dot_body,
        in_specs=[pl.BlockSpec((1, BATCH), lambda: (0, 0))]
        + [pl.BlockSpec((1, QROWS), lambda: (0, 0)) for _ in range(NQ)],
        out_specs=pl.BlockSpec(memory_space=pltpu.SMEM),
        out_shape=jax.ShapeDtypeStruct((1, 1), jnp.float32),
    )(w2d, *norm_parts)


def kernel(factor, features, weights):
    feat3d = features.astype(jnp.int32).reshape(NW, NG, GCH)
    weights_flat = weights.reshape(-1)
    norm_parts = _tc_norms(factor)
    w = _sc_gather(feat3d, weights_flat)
    out = _tc_dot(w.reshape(1, BATCH), norm_parts)
    return out[0, 0]

# --- scband reference (transcript-rebuilt; emitter-appended) ---
"""Pipeline reference for scband-embedding-adaptive-regularizer-57054345560713 (READ-ONLY COPY).

The authoritative reference and input builder live on the scoring server;
editing this copy changes nothing except your own understanding.
"""

import jax, jax.numpy as jnp
import numpy as np

NB_OBJECTS = 100000
BATCH = 16384
DIM = 128


def setup_inputs(seed: int = 0) -> dict:
    key = jax.random.key(seed)
    k1, k2, k3 = jax.random.split(key, 3)
    factor = jax.random.normal(k1, (BATCH, DIM), dtype=jnp.float32)
    features = jax.random.randint(k2, (BATCH,), 0, NB_OBJECTS, dtype=jnp.int64)
    # learned per-object regularization weights: nn.Embedding(nb_objects, 1)
    weights = jax.random.normal(k3, (NB_OBJECTS, 1), dtype=jnp.float32)
    return {"factor": factor, "features": features, "weights": weights}


def reference(factor, features, weights):
    # regularizer([factor], dim=1): per-row squared L2 norm (F2 regularizer)
    norm_values = jnp.sum(factor * factor, axis=1)
    # self.weights(features).view(-1): embedding gather then flatten
    w = jnp.take(weights, features, axis=0).reshape(-1)
    assert w.shape == norm_values.shape
    return jnp.sum(w * norm_values)

if __name__ == "__main__":
    import jax
    _d = setup_inputs()
    print(jax.jit(kernel)(*tuple(_d.values())))

</pallas_src>

<mosaic_0001>
#map = affine_map<(d0, d1) -> (0, 0, 0)>
#map1 = affine_map<(d0, d1) -> (0)>
module attributes {stable_mosaic.version = 14 : i64} {
  func.func @_gather_body(%arg0: i32, %arg1: i32, %arg2: memref<32x4x128xi32, #tpu.memory_space<hbm>>, %arg3: memref<100000xf32, #tpu.memory_space<hbm>>, %arg4: memref<16384xf32, #tpu.memory_space<hbm>>, %arg5: memref<4x128xi32, #tpu.memory_space<vmem>>, %arg6: memref<512xf32, #tpu.memory_space<vmem>>, %arg7: memref<!tpu.dma_semaphore, #tpu.memory_space<semaphore_mem>>) attributes {dimension_semantics = [#tpu.dimension_semantics<core_parallel>, #tpu.dimension_semantics<subcore_parallel>], iteration_bounds = array<i64: 2, 16>, scalar_prefetch = 0 : i64, scratch_operands = 3 : i64, tpu.core_type = #tpu.core_type<sc_vector_subcore>, window_params = [{transform_indices = #map}, {transform_indices = #map1}, {transform_indices = #map1}]} {
    %mul3A = arith.constant 2 : i32
    %mul3A_0 = arith.muli %arg1, %mul3A : i32
    %add3A = arith.addi %mul3A_0, %arg0 : i32
    "tpu.region"() ({
      %run_scoped3A = tpu.sem_alloc : memref<!tpu.dma_semaphore, #tpu.memory_space<semaphore_mem>>
      %dma_start3A_65 = arith.constant 0 : i32
      %dma_start3A_66 = arith.constant 0 : i32
      %dma_start3A_67 = tpu.memref_slice %arg2[%add3A, %dma_start3A_65, %dma_start3A_66] : memref<32x4x128xi32, #tpu.memory_space<hbm>> -> memref<1x4x128xi32, #tpu.memory_space<hbm>>
      %dma_start3A_68 = tpu.memref_squeeze %dma_start3A_67 : memref<1x4x128xi32, #tpu.memory_space<hbm>> -> memref<4x128xi32, #tpu.memory_space<hbm>>
      %dma_start3A_69 = arith.constant 0 : i32
      %dma_start3A_70 = arith.constant 0 : i32
      %dma_start3A_71 = tpu.memref_slice %arg2[%add3A, %dma_start3A_69, %dma_start3A_70] : memref<32x4x128xi32, #tpu.memory_space<hbm>> -> memref<1x4x128xi32, #tpu.memory_space<hbm>>
      %dma_start3A_72 = tpu.memref_squeeze %dma_start3A_71 : memref<1x4x128xi32, #tpu.memory_space<hbm>> -> memref<4x128xi32, #tpu.memory_space<hbm>>
      tpu.enqueue_dma source(%dma_start3A_72 : memref<4x128xi32, #tpu.memory_space<hbm>>) target(%arg5 : memref<4x128xi32, #tpu.memory_space<vmem>>) target_semaphore(%run_scoped3A : memref<!tpu.dma_semaphore, #tpu.memory_space<semaphore_mem>>)
      %dma_wait3A_73 = arith.constant 0 : i32
      %dma_wait3A_74 = arith.constant 0 : i32
      %dma_wait3A_75 = tpu.memref_slice %arg2[%add3A, %dma_wait3A_73, %dma_wait3A_74] : memref<32x4x128xi32, #tpu.memory_space<hbm>> -> memref<1x4x128xi32, #tpu.memory_space<hbm>>
      %dma_wait3A_76 = tpu.memref_squeeze %dma_wait3A_75 : memref<1x4x128xi32, #tpu.memory_space<hbm>> -> memref<4x128xi32, #tpu.memory_space<hbm>>
      %dma_wait3A_77 = arith.constant 0 : i32
      %dma_wait3A_78 = arith.constant 0 : i32
      %dma_wait3A_79 = tpu.memref_slice %arg2[%add3A, %dma_wait3A_77, %dma_wait3A_78] : memref<32x4x128xi32, #tpu.memory_space<hbm>> -> memref<1x4x128xi32, #tpu.memory_space<hbm>>
      %dma_wait3A_80 = tpu.memref_squeeze %dma_wait3A_79 : memref<1x4x128xi32, #tpu.memory_space<hbm>> -> memref<4x128xi32, #tpu.memory_space<hbm>>
      tpu.wait_dma2 semaphore(%run_scoped3A : memref<!tpu.dma_semaphore, #tpu.memory_space<semaphore_mem>>) src(%dma_wait3A_80 : memref<4x128xi32, #tpu.memory_space<hbm>>) dst(%arg5 : memref<4x128xi32, #tpu.memory_space<vmem>>)
      tpu.yield
    }) : () -> ()
    %dma_start3A = arith.constant 0 : i32
    %dma_start3A_1 = arith.constant 0 : i32
    %dma_start3A_2 = tpu.memref_slice %arg6[%dma_start3A_1] : memref<512xf32, #tpu.memory_space<vmem>> -> memref<128xf32, #tpu.memory_space<vmem>>
    %dma_start3A_3 = arith.constant 0 : i32
    %dma_start3A_4 = tpu.memref_slice %arg5[%dma_start3A, %dma_start3A_3] : memref<4x128xi32, #tpu.memory_space<vmem>> -> memref<1x128xi32, #tpu.memory_space<vmem>>
    %dma_start3A_5 = tpu.memref_squeeze %dma_start3A_4 : memref<1x128xi32, #tpu.memory_space<vmem>> -> memref<128xi32, #tpu.memory_space<vmem>>
    %dma_start3A_6 = arith.constant 0 : i32
    %dma_start3A_7 = tpu.memref_slice %arg3[%dma_start3A_6] : memref<100000xf32, #tpu.memory_space<hbm>> -> memref<100000xf32, #tpu.memory_space<hbm>>
    tpu.enqueue_indirect_dma source(%dma_start3A_7 : memref<100000xf32, #tpu.memory_space<hbm>>) target(%dma_start3A_2 : memref<128xf32, #tpu.memory_space<vmem>>) offsets(%dma_start3A_5 : memref<128xi32, #tpu.memory_space<vmem>>) semaphore(%arg7 : memref<!tpu.dma_semaphore, #tpu.memory_space<semaphore_mem>>)
    %dma_start3A_8 = arith.constant 1 : i32
    %dma_start3A_9 = arith.constant 128 : i32
    %dma_start3A_10 = tpu.memref_slice %arg6[%dma_start3A_9] : memref<512xf32, #tpu.memory_space<vmem>> -> memref<128xf32, #tpu.memory_space<vmem>>
    %dma_start3A_11 = arith.constant 0 : i32
    %dma_start3A_12 = tpu.memref_slice %arg5[%dma_start3A_8, %dma_start3A_11] : memref<4x128xi32, #tpu.memory_space<vmem>> -> memref<1x128xi32, #tpu.memory_space<vmem>>
    %dma_start3A_13 = tpu.memref_squeeze %dma_start3A_12 : memref<1x128xi32, #tpu.memory_space<vmem>> -> memref<128xi32, #tpu.memory_space<vmem>>
    %dma_start3A_14 = arith.constant 0 : i32
    %dma_start3A_15 = tpu.memref_slice %arg3[%dma_start3A_14] : memref<100000xf32, #tpu.memory_space<hbm>> -> memref<100000xf32, #tpu.memory_space<hbm>>
    tpu.enqueue_indirect_dma source(%dma_start3A_15 : memref<100000xf32, #tpu.memory_space<hbm>>) target(%dma_start3A_10 : memref<128xf32, #tpu.memory_space<vmem>>) offsets(%dma_start3A_13 : memref<128xi32, #tpu.memory_space<vmem>>) semaphore(%arg7 : memref<!tpu.dma_semaphore, #tpu.memory_space<semaphore_mem>>)
    %dma_start3A_16 = arith.constant 2 : i32
    %dma_start3A_17 = arith.constant 256 : i32
    %dma_start3A_18 = tpu.memref_slice %arg6[%dma_start3A_17] : memref<512xf32, #tpu.memory_space<vmem>> -> memref<128xf32, #tpu.memory_space<vmem>>
    %dma_start3A_19 = arith.constant 0 : i32
    %dma_start3A_20 = tpu.memref_slice %arg5[%dma_start3A_16, %dma_start3A_19] : memref<4x128xi32, #tpu.memory_space<vmem>> -> memref<1x128xi32, #tpu.memory_space<vmem>>
    %dma_start3A_21 = tpu.memref_squeeze %dma_start3A_20 : memref<1x128xi32, #tpu.memory_space<vmem>> -> memref<128xi32, #tpu.memory_space<vmem>>
    %dma_start3A_22 = arith.constant 0 : i32
    %dma_start3A_23 = tpu.memref_slice %arg3[%dma_start3A_22] : memref<100000xf32, #tpu.memory_space<hbm>> -> memref<100000xf32, #tpu.memory_space<hbm>>
    tpu.enqueue_indirect_dma source(%dma_start3A_23 : memref<100000xf32, #tpu.memory_space<hbm>>) target(%dma_start3A_18 : memref<128xf32, #tpu.memory_space<vmem>>) offsets(%dma_start3A_21 : memref<128xi32, #tpu.memory_space<vmem>>) semaphore(%arg7 : memref<!tpu.dma_semaphore, #tpu.memory_space<semaphore_mem>>)
    %dma_start3A_24 = arith.constant 3 : i32
    %dma_start3A_25 = arith.constant 384 : i32
    %dma_start3A_26 = tpu.memref_slice %arg6[%dma_start3A_25] : memref<512xf32, #tpu.memory_space<vmem>> -> memref<128xf32, #tpu.memory_space<vmem>>
    %dma_start3A_27 = arith.constant 0 : i32
    %dma_start3A_28 = tpu.memref_slice %arg5[%dma_start3A_24, %dma_start3A_27] : memref<4x128xi32, #tpu.memory_space<vmem>> -> memref<1x128xi32, #tpu.memory_space<vmem>>
    %dma_start3A_29 = tpu.memref_squeeze %dma_start3A_28 : memref<1x128xi32, #tpu.memory_space<vmem>> -> memref<128xi32, #tpu.memory_space<vmem>>
    %dma_start3A_30 = arith.constant 0 : i32
    %dma_start3A_31 = tpu.memref_slice %arg3[%dma_start3A_30] : memref<100000xf32, #tpu.memory_space<hbm>> -> memref<100000xf32, #tpu.memory_space<hbm>>
    tpu.enqueue_indirect_dma source(%dma_start3A_31 : memref<100000xf32, #tpu.memory_space<hbm>>) target(%dma_start3A_26 : memref<128xf32, #tpu.memory_space<vmem>>) offsets(%dma_start3A_29 : memref<128xi32, #tpu.memory_space<vmem>>) semaphore(%arg7 : memref<!tpu.dma_semaphore, #tpu.memory_space<semaphore_mem>>)
    %dma_wait3A = arith.constant 0 : i32
    %dma_wait3A_32 = arith.constant 0 : i32
    %dma_wait3A_33 = tpu.memref_slice %arg6[%dma_wait3A_32] : memref<512xf32, #tpu.memory_space<vmem>> -> memref<128xf32, #tpu.memory_space<vmem>>
    %dma_wait3A_34 = arith.constant 0 : i32
    %dma_wait3A_35 = tpu.memref_slice %arg5[%dma_wait3A, %dma_wait3A_34] : memref<4x128xi32, #tpu.memory_space<vmem>> -> memref<1x128xi32, #tpu.memory_space<vmem>>
    %dma_wait3A_36 = tpu.memref_squeeze %dma_wait3A_35 : memref<1x128xi32, #tpu.memory_space<vmem>> -> memref<128xi32, #tpu.memory_space<vmem>>
    %dma_wait3A_37 = arith.constant 0 : i32
    %dma_wait3A_38 = tpu.memref_slice %arg3[%dma_wait3A_37] : memref<100000xf32, #tpu.memory_space<hbm>> -> memref<100000xf32, #tpu.memory_space<hbm>>
    tpu.wait_indirect_dma semaphore(%arg7 : memref<!tpu.dma_semaphore, #tpu.memory_space<semaphore_mem>>) src(%dma_wait3A_38 : memref<100000xf32, #tpu.memory_space<hbm>>) dst(%dma_wait3A_33 : memref<128xf32, #tpu.memory_space<vmem>>)
    %dma_wait3A_39 = arith.constant 1 : i32
    %dma_wait3A_40 = arith.constant 128 : i32
    %dma_wait3A_41 = tpu.memref_slice %arg6[%dma_wait3A_40] : memref<512xf32, #tpu.memory_space<vmem>> -> memref<128xf32, #tpu.memory_space<vmem>>
    %dma_wait3A_42 = arith.constant 0 : i32
    %dma_wait3A_43 = tpu.memref_slice %arg5[%dma_wait3A_39, %dma_wait3A_42] : memref<4x128xi32, #tpu.memory_space<vmem>> -> memref<1x128xi32, #tpu.memory_space<vmem>>
    %dma_wait3A_44 = tpu.memref_squeeze %dma_wait3A_43 : memref<1x128xi32, #tpu.memory_space<vmem>> -> memref<128xi32, #tpu.memory_space<vmem>>
    %dma_wait3A_45 = arith.constant 0 : i32
    %dma_wait3A_46 = tpu.memref_slice %arg3[%dma_wait3A_45] : memref<100000xf32, #tpu.memory_space<hbm>> -> memref<100000xf32, #tpu.memory_space<hbm>>
    tpu.wait_indirect_dma semaphore(%arg7 : memref<!tpu.dma_semaphore, #tpu.memory_space<semaphore_mem>>) src(%dma_wait3A_46 : memref<100000xf32, #tpu.memory_space<hbm>>) dst(%dma_wait3A_41 : memref<128xf32, #tpu.memory_space<vmem>>)
    %dma_wait3A_47 = arith.constant 2 : i32
    %dma_wait3A_48 = arith.constant 256 : i32
    %dma_wait3A_49 = tpu.memref_slice %arg6[%dma_wait3A_48] : memref<512xf32, #tpu.memory_space<vmem>> -> memref<128xf32, #tpu.memory_space<vmem>>
    %dma_wait3A_50 = arith.constant 0 : i32
    %dma_wait3A_51 = tpu.memref_slice %arg5[%dma_wait3A_47, %dma_wait3A_50] : memref<4x128xi32, #tpu.memory_space<vmem>> -> memref<1x128xi32, #tpu.memory_space<vmem>>
    %dma_wait3A_52 = tpu.memref_squeeze %dma_wait3A_51 : memref<1x128xi32, #tpu.memory_space<vmem>> -> memref<128xi32, #tpu.memory_space<vmem>>
    %dma_wait3A_53 = arith.constant 0 : i32
    %dma_wait3A_54 = tpu.memref_slice %arg3[%dma_wait3A_53] : memref<100000xf32, #tpu.memory_space<hbm>> -> memref<100000xf32, #tpu.memory_space<hbm>>
    tpu.wait_indirect_dma semaphore(%arg7 : memref<!tpu.dma_semaphore, #tpu.memory_space<semaphore_mem>>) src(%dma_wait3A_54 : memref<100000xf32, #tpu.memory_space<hbm>>) dst(%dma_wait3A_49 : memref<128xf32, #tpu.memory_space<vmem>>)
    %dma_wait3A_55 = arith.constant 3 : i32
    %dma_wait3A_56 = arith.constant 384 : i32
    %dma_wait3A_57 = tpu.memref_slice %arg6[%dma_wait3A_56] : memref<512xf32, #tpu.memory_space<vmem>> -> memref<128xf32, #tpu.memory_space<vmem>>
    %dma_wait3A_58 = arith.constant 0 : i32
    %dma_wait3A_59 = tpu.memref_slice %arg5[%dma_wait3A_55, %dma_wait3A_58] : memref<4x128xi32, #tpu.memory_space<vmem>> -> memref<1x128xi32, #tpu.memory_space<vmem>>
    %dma_wait3A_60 = tpu.memref_squeeze %dma_wait3A_59 : memref<1x128xi32, #tpu.memory_space<vmem>> -> memref<128xi32, #tpu.memory_space<vmem>>
    %dma_wait3A_61 = arith.constant 0 : i32
    %dma_wait3A_62 = tpu.memref_slice %arg3[%dma_wait3A_61] : memref<100000xf32, #tpu.memory_space<hbm>> -> memref<100000xf32, #tpu.memory_space<hbm>>
    tpu.wait_indirect_dma semaphore(%arg7 : memref<!tpu.dma_semaphore, #tpu.memory_space<semaphore_mem>>) src(%dma_wait3A_62 : memref<100000xf32, #tpu.memory_space<hbm>>) dst(%dma_wait3A_57 : memref<128xf32, #tpu.memory_space<vmem>>)
    %mul3A_63 = arith.constant 512 : i32
    %mul3A_64 = arith.muli %add3A, %mul3A_63 : i32
    "tpu.region"() ({
      %run_scoped3A = tpu.sem_alloc : memref<!tpu.dma_semaphore, #tpu.memory_space<semaphore_mem>>
      %dma_start3A_65 = tpu.memref_slice %arg4[%mul3A_64] : memref<16384xf32, #tpu.memory_space<hbm>> -> memref<512xf32, #tpu.memory_space<hbm>>
      %dma_start3A_66 = tpu.memref_slice %arg4[%mul3A_64] : memref<16384xf32, #tpu.memory_space<hbm>> -> memref<512xf32, #tpu.memory_space<hbm>>
      tpu.enqueue_dma source(%arg6 : memref<512xf32, #tpu.memory_space<vmem>>) target(%dma_start3A_66 : memref<512xf32, #tpu.memory_space<hbm>>) target_semaphore(%run_scoped3A : memref<!tpu.dma_semaphore, #tpu.memory_space<semaphore_mem>>)
      %dma_wait3A_67 = tpu.memref_slice %arg4[%mul3A_64] : memref<16384xf32, #tpu.memory_space<hbm>> -> memref<512xf32, #tpu.memory_space<hbm>>
      %dma_wait3A_68 = tpu.memref_slice %arg4[%mul3A_64] : memref<16384xf32, #tpu.memory_space<hbm>> -> memref<512xf32, #tpu.memory_space<hbm>>
      tpu.wait_dma2 semaphore(%run_scoped3A : memref<!tpu.dma_semaphore, #tpu.memory_space<semaphore_mem>>) src(%arg6 : memref<512xf32, #tpu.memory_space<vmem>>) dst(%dma_wait3A_68 : memref<512xf32, #tpu.memory_space<hbm>>)
      tpu.yield
    }) : () -> ()
    return
  }
}

module attributes {stable_mosaic.version = 14 : i64} {
  func.func @_norms_body(%arg0: i32, %arg1: memref<1024x128xf32, #tpu.memory_space<vmem>>, %arg2: memref<1024x128xf32, #tpu.memory_space<vmem>>, %arg3: memref<1024x128xf32, #tpu.memory_space<vmem>>, %arg4: memref<1024x128xf32, #tpu.memory_space<vmem>>, %arg5: memref<1024x128xf32, #tpu.memory_space<vmem>>, %arg6: memref<1024x128xf32, #tpu.memory_space<vmem>>, %arg7: memref<1024x128xf32, #tpu.memory_space<vmem>>, %arg8: memref<1024x128xf32, #tpu.memory_space<vmem>>, %arg9: memref<1x1024xf32, #tpu.memory_space<vmem>>, %arg10: memref<1x1024xf32, #tpu.memory_space<vmem>>, %arg11: memref<1x1024xf32, #tpu.memory_space<vmem>>, %arg12: memref<1x1024xf32, #tpu.memory_space<vmem>>, %arg13: memref<1x1024xf32, #tpu.memory_space<vmem>>, %arg14: memref<1x1024xf32, #tpu.memory_space<vmem>>, %arg15: memref<1x1024xf32, #tpu.memory_space<vmem>>, %arg16: memref<1x1024xf32, #tpu.memory_space<vmem>>) attributes {dimension_semantics = [#tpu.dimension_semantics<arbitrary>], iteration_bounds = array<i64: 2>, scalar_prefetch = 0 : i64, scratch_operands = 0 : i64, tpu.core_type = #tpu.core_type<tc>, window_params = [{transform_indices = @transform_0, window_bounds = array<i64: 1024, 128>}, {transform_indices = @transform_1, window_bounds = array<i64: 1024, 128>}, {transform_indices = @transform_2, window_bounds = array<i64: 1024, 128>}, {transform_indices = @transform_3, window_bounds = array<i64: 1024, 128>}, {transform_indices = @transform_4, window_bounds = array<i64: 1024, 128>}, {transform_indices = @transform_5, window_bounds = array<i64: 1024, 128>}, {transform_indices = @transform_6, window_bounds = array<i64: 1024, 128>}, {transform_indices = @transform_7, window_bounds = array<i64: 1024, 128>}, {transform_indices = @transform_8, window_bounds = array<i64: 1, 1024>}, {transform_indices = @transform_9, window_bounds = array<i64: 1, 1024>}, {transform_indices = @transform_10, window_bounds = array<i64: 1, 1024>}, {transform_indices = @transform_11, window_bounds = array<i64: 1, 1024>}, {transform_indices = @transform_12, window_bounds = array<i64: 1, 1024>}, {transform_indices = @transform_13, window_bounds = array<i64: 1, 1024>}, {transform_indices = @transform_14, window_bounds = array<i64: 1, 1024>}, {transform_indices = @transform_15, window_bounds = array<i64: 1, 1024>}]} {
    %get3A = arith.constant 0 : index
    %get3A_0 = arith.constant 0 : index
    %get3A_1 = vector.load %arg1[%get3A, %get3A_0] : memref<1024x128xf32, #tpu.memory_space<vmem>>, vector<1024x128xf32>
    %get3A_2 = arith.constant 0 : index
    %get3A_3 = arith.constant 0 : index
    %get3A_4 = vector.load %arg1[%get3A_2, %get3A_3] : memref<1024x128xf32, #tpu.memory_space<vmem>>, vector<1024x128xf32>
    %mul3A = arith.mulf %get3A_1, %get3A_4 : vector<1024x128xf32>
    %transpose3A = tpu.transpose %mul3A, [1, 0] : vector<1024x128xf32> -> vector<128x1024xf32>
    %reduce_sum3A = arith.constant dense<0.000000e+00> : vector<1024xf32>
    %reduce_sum3A_5 = vector.multi_reduction <add>, %transpose3A, %reduce_sum3A [0] : vector<128x1024xf32> to vector<1024xf32>
    %reshape3A = vector.shape_cast %reduce_sum3A_5 : vector<1024xf32> to vector<1x1024xf32>
    %swap3A = arith.constant 0 : index
    %swap3A_6 = arith.constant 0 : index
    %swap3A_7 = vector.load %arg9[%swap3A, %swap3A_6] : memref<1x1024xf32, #tpu.memory_space<vmem>>, vector<1x1024xf32>
    tpu.vector_store %arg9[%swap3A, %swap3A_6], %reshape3A {strides = array<i32>} : memref<1x1024xf32, #tpu.memory_space<vmem>>, vector<1x1024xf32>,
    %get3A_8 = arith.constant 0 : index
    %get3A_9 = arith.constant 0 : index
    %get3A_10 = vector.load %arg2[%get3A_8, %get3A_9] : memref<1024x128xf32, #tpu.memory_space<vmem>>, vector<1024x128xf32>
    %get3A_11 = arith.constant 0 : index
    %get3A_12 = arith.constant 0 : index
    %get3A_13 = vector.load %arg2[%get3A_11, %get3A_12] : memref<1024x128xf32, #tpu.memory_space<vmem>>, vector<1024x128xf32>
    %mul3A_14 = arith.mulf %get3A_10, %get3A_13 : vector<1024x128xf32>
    %transpose3A_15 = tpu.transpose %mul3A_14, [1, 0] : vector<1024x128xf32> -> vector<128x1024xf32>
    %reduce_sum3A_16 = arith.constant dense<0.000000e+00> : vector<1024xf32>
    %reduce_sum3A_17 = vector.multi_reduction <add>, %transpose3A_15, %reduce_sum3A_16 [0] : vector<128x1024xf32> to vector<1024xf32>
    %reshape3A_18 = vector.shape_cast %reduce_sum3A_17 : vector<1024xf32> to vector<1x1024xf32>
    %swap3A_19 = arith.constant 0 : index
    %swap3A_20 = arith.constant 0 : index
    %swap3A_21 = vector.load %arg10[%swap3A_19, %swap3A_20] : memref<1x1024xf32, #tpu.memory_space<vmem>>, vector<1x1024xf32>
    tpu.vector_store %arg10[%swap3A_19, %swap3A_20], %reshape3A_18 {strides = array<i32>} : memref<1x1024xf32, #tpu.memory_space<vmem>>, vector<1x1024xf32>,
    %get3A_22 = arith.constant 0 : index
    %get3A_23 = arith.constant 0 : index
    %get3A_24 = vector.load %arg3[%get3A_22, %get3A_23] : memref<1024x128xf32, #tpu.memory_space<vmem>>, vector<1024x128xf32>
    %get3A_25 = arith.constant 0 : index
    %get3A_26 = arith.constant 0 : index
    %get3A_27 = vector.load %arg3[%get3A_25, %get3A_26] : memref<1024x128xf32, #tpu.memory_space<vmem>>, vector<1024x128xf32>
    %mul3A_28 = arith.mulf %get3A_24, %get3A_27 : vector<1024x128xf32>
    %transpose3A_29 = tpu.transpose %mul3A_28, [1, 0] : vector<1024x128xf32> -> vector<128x1024xf32>
    %reduce_sum3A_30 = arith.constant dense<0.000000e+00> : vector<1024xf32>
    %reduce_sum3A_31 = vector.multi_reduction <add>, %transpose3A_29, %reduce_sum3A_30 [0] : vector<128x1024xf32> to vector<1024xf32>
    %reshape3A_32 = vector.shape_cast %reduce_sum3A_31 : vector<1024xf32> to vector<1x1024xf32>
    %swap3A_33 = arith.constant 0 : index
    %swap3A_34 = arith.constant 0 : index
    %swap3A_35 = vector.load %arg11[%swap3A_33, %swap3A_34] : memref<1x1024xf32, #tpu.memory_space<vmem>>, vector<1x1024xf32>
    tpu.vector_store %arg11[%swap3A_33, %swap3A_34], %reshape3A_32 {strides = array<i32>} : memref<1x1024xf32, #tpu.memory_space<vmem>>, vector<1x1024xf32>,
    %get3A_36 = arith.constant 0 : index
    %get3A_37 = arith.constant 0 : index
    %get3A_38 = vector.load %arg4[%get3A_36, %get3A_37] : memref<1024x128xf32, #tpu.memory_space<vmem>>, vector<1024x128xf32>
    %get3A_39 = arith.constant 0 : index
    %get3A_40 = arith.constant 0 : index
    %get3A_41 = vector.load %arg4[%get3A_39, %get3A_40] : memref<1024x128xf32, #tpu.memory_space<vmem>>, vector<1024x128xf32>
    %mul3A_42 = arith.mulf %get3A_38, %get3A_41 : vector<1024x128xf32>
    %transpose3A_43 = tpu.transpose %mul3A_42, [1, 0] : vector<1024x128xf32> -> vector<128x1024xf32>
    %reduce_sum3A_44 = arith.constant dense<0.000000e+00> : vector<1024xf32>
    %reduce_sum3A_45 = vector.multi_reduction <add>, %transpose3A_43, %reduce_sum3A_44 [0] : vector<128x1024xf32> to vector<1024xf32>
    %reshape3A_46 = vector.shape_cast %reduce_sum3A_45 : vector<1024xf32> to vector<1x1024xf32>
    %swap3A_47 = arith.constant 0 : index
    %swap3A_48 = arith.constant 0 : index
    %swap3A_49 = vector.load %arg12[%swap3A_47, %swap3A_48] : memref<1x1024xf32, #tpu.memory_space<vmem>>, vector<1x1024xf32>
    tpu.vector_store %arg12[%swap3A_47, %swap3A_48], %reshape3A_46 {strides = array<i32>} : memref<1x1024xf32, #tpu.memory_space<vmem>>, vector<1x1024xf32>,
    %get3A_50 = arith.constant 0 : index
    %get3A_51 = arith.constant 0 : index
    %get3A_52 = vector.load %arg5[%get3A_50, %get3A_51] : memref<1024x128xf32, #tpu.memory_space<vmem>>, vector<1024x128xf32>
    %get3A_53 = arith.constant 0 : index
    %get3A_54 = arith.constant 0 : index
    %get3A_55 = vector.load %arg5[%get3A_53, %get3A_54] : memref<1024x128xf32, #tpu.memory_space<vmem>>, vector<1024x128xf32>
    %mul3A_56 = arith.mulf %get3A_52, %get3A_55 : vector<1024x128xf32>
    %transpose3A_57 = tpu.transpose %mul3A_56, [1, 0] : vector<1024x128xf32> -> vector<128x1024xf32>
    %reduce_sum3A_58 = arith.constant dense<0.000000e+00> : vector<1024xf32>
    %reduce_sum3A_59 = vector.multi_reduction <add>, %transpose3A_57, %reduce_sum3A_58 [0] : vector<128x1024xf32> to vector<1024xf32>
    %reshape3A_60 = vector.shape_cast %reduce_sum3A_59 : vector<1024xf32> to vector<1x1024xf32>
    %swap3A_61 = arith.constant 0 : index
    %swap3A_62 = arith.constant 0 : index
    %swap3A_63 = vector.load %arg13[%swap3A_61, %swap3A_62] : memref<1x1024xf32, #tpu.memory_space<vmem>>, vector<1x1024xf32>
    tpu.vector_store %arg13[%swap3A_61, %swap3A_62], %reshape3A_60 {strides = array<i32>} : memref<1x1024xf32, #tpu.memory_space<vmem>>, vector<1x1024xf32>,
    %get3A_64 = arith.constant 0 : index
    %get3A_65 = arith.constant 0 : index
    %get3A_66 = vector.load %arg6[%get3A_64, %get3A_65] : memref<1024x128xf32, #tpu.memory_space<vmem>>, vector<1024x128xf32>
    %get3A_67 = arith.constant 0 : index
    %get3A_68 = arith.constant 0 : index
    %get3A_69 = vector.load %arg6[%get3A_67, %get3A_68] : memref<1024x128xf32, #tpu.memory_space<vmem>>, vector<1024x128xf32>
    %mul3A_70 = arith.mulf %get3A_66, %get3A_69 : vector<1024x128xf32>
    %transpose3A_71 = tpu.transpose %mul3A_70, [1, 0] : vector<1024x128xf32> -> vector<128x1024xf32>
    %reduce_sum3A_72 = arith.constant dense<0.000000e+00> : vector<1024xf32>
    %reduce_sum3A_73 = vector.multi_reduction <add>, %transpose3A_71, %reduce_sum3A_72 [0] : vector<128x1024xf32> to vector<1024xf32>
    %reshape3A_74 = vector.shape_cast %reduce_sum3A_73 : vector<1024xf32> to vector<1x1024xf32>
    %swap3A_75 = arith.constant 0 : index
    %swap3A_76 = arith.constant 0 : index
    %swap3A_77 = vector.load %arg14[%swap3A_75, %swap3A_76] : memref<1x1024xf32, #tpu.memory_space<vmem>>, vector<1x1024xf32>
    tpu.vector_store %arg14[%swap3A_75, %swap3A_76], %reshape3A_74 {strides = array<i32>} : memref<1x1024xf32, #tpu.memory_space<vmem>>, vector<1x1024xf32>,
    %get3A_78 = arith.constant 0 : index
    %get3A_79 = arith.constant 0 : index
    %get3A_80 = vector.load %arg7[%get3A_78, %get3A_79] : memref<1024x128xf32, #tpu.memory_space<vmem>>, vector<1024x128xf32>
    %get3A_81 = arith.constant 0 : index
    %get3A_82 = arith.constant 0 : index
    %get3A_83 = vector.load %arg7[%get3A_81, %get3A_82] : memref<1024x128xf32, #tpu.memory_space<vmem>>, vector<1024x128xf32>
    %mul3A_84 = arith.mulf %get3A_80, %get3A_83 : vector<1024x128xf32>
    %transpose3A_85 = tpu.transpose %mul3A_84, [1, 0] : vector<1024x128xf32> -> vector<128x1024xf32>
    %reduce_sum3A_86 = arith.constant dense<0.000000e+00> : vector<1024xf32>
    %reduce_sum3A_87 = vector.multi_reduction <add>, %transpose3A_85, %reduce_sum3A_86 [0] : vector<128x1024xf32> to vector<1024xf32>
    %reshape3A_88 = vector.shape_cast %reduce_sum3A_87 : vector<1024xf32> to vector<1x1024xf32>
    %swap3A_89 = arith.constant 0 : index
    %swap3A_90 = arith.constant 0 : index
    %swap3A_91 = vector.load %arg15[%swap3A_89, %swap3A_90] : memref<1x1024xf32, #tpu.memory_space<vmem>>, vector<1x1024xf32>
    tpu.vector_store %arg15[%swap3A_89, %swap3A_90], %reshape3A_88 {strides = array<i32>} : memref<1x1024xf32, #tpu.memory_space<vmem>>, vector<1x1024xf32>,
    %get3A_92 = arith.constant 0 : index
    %get3A_93 = arith.constant 0 : index
    %get3A_94 = vector.load %arg8[%get3A_92, %get3A_93] : memref<1024x128xf32, #tpu.memory_space<vmem>>, vector<1024x128xf32>
    %get3A_95 = arith.constant 0 : index
    %get3A_96 = arith.constant 0 : index
    %get3A_97 = vector.load %arg8[%get3A_95, %get3A_96] : memref<1024x128xf32, #tpu.memory_space<vmem>>, vector<1024x128xf32>
    %mul3A_98 = arith.mulf %get3A_94, %get3A_97 : vector<1024x128xf32>
    %transpose3A_99 = tpu.transpose %mul3A_98, [1, 0] : vector<1024x128xf32> -> vector<128x1024xf32>
    %reduce_sum3A_100 = arith.constant dense<0.000000e+00> : vector<1024xf32>
    %reduce_sum3A_101 = vector.multi_reduction <add>, %transpose3A_99, %reduce_sum3A_100 [0] : vector<128x1024xf32> to vector<1024xf32>
    %reshape3A_102 = vector.shape_cast %reduce_sum3A_101 : vector<1024xf32> to vector<1x1024xf32>
    %swap3A_103 = arith.constant 0 : index
    %swap3A_104 = arith.constant 0 : index
    %swap3A_105 = vector.load %arg16[%swap3A_103, %swap3A_104] : memref<1x1024xf32, #tpu.memory_space<vmem>>, vector<1x1024xf32>
    tpu.vector_store %arg16[%swap3A_103, %swap3A_104], %reshape3A_102 {strides = array<i32>} : memref<1x1024xf32, #tpu.memory_space<vmem>>, vector<1x1024xf32>,
    return
  }
  func.func @transform_0(%arg0: i32) -> (i32, i32) {
    %add3A = arith.constant 0 : i32
    %add3A_0 = arith.addi %add3A, %arg0 : i32
    %c0_i32 = arith.constant 0 : i32
    %c0_i32_1 = arith.constant 0 : i32
    return %add3A_0, %c0_i32 : i32, i32
  }
  func.func @transform_1(%arg0: i32) -> (i32, i32) {
    %add3A = arith.constant 2 : i32
    %add3A_0 = arith.addi %add3A, %arg0 : i32
    %c0_i32 = arith.constant 0 : i32
    %c0_i32_1 = arith.constant 0 : i32
    return %add3A_0, %c0_i32 : i32, i32
  }
  func.func @transform_2(%arg0: i32) -> (i32, i32) {
    %add3A = arith.constant 4 : i32
    %add3A_0 = arith.addi %add3A, %arg0 : i32
    %c0_i32 = arith.constant 0 : i32
    %c0_i32_1 = arith.constant 0 : i32
    return %add3A_0, %c0_i32 : i32, i32
  }
  func.func @transform_3(%arg0: i32) -> (i32, i32) {
    %add3A = arith.constant 6 : i32
    %add3A_0 = arith.addi %add3A, %arg0 : i32
    %c0_i32 = arith.constant 0 : i32
    %c0_i32_1 = arith.constant 0 : i32
    return %add3A_0, %c0_i32 : i32, i32
  }
  func.func @transform_4(%arg0: i32) -> (i32, i32) {
    %add3A = arith.constant 8 : i32
    %add3A_0 = arith.addi %add3A, %arg0 : i32
    %c0_i32 = arith.constant 0 : i32
    %c0_i32_1 = arith.constant 0 : i32
    return %add3A_0, %c0_i32 : i32, i32
  }
  func.func @transform_5(%arg0: i32) -> (i32, i32) {
    %add3A = arith.constant 10 : i32
    %add3A_0 = arith.addi %add3A, %arg0 : i32
    %c0_i32 = arith.constant 0 : i32
    %c0_i32_1 = arith.constant 0 : i32
    return %add3A_0, %c0_i32 : i32, i32
  }
  func.func @transform_6(%arg0: i32) -> (i32, i32) {
    %add3A = arith.constant 12 : i32
    %add3A_0 = arith.addi %add3A, %arg0 : i32
    %c0_i32 = arith.constant 0 : i32
    %c0_i32_1 = arith.constant 0 : i32
    return %add3A_0, %c0_i32 : i32, i32
  }
  func.func @transform_7(%arg0: i32) -> (i32, i32) {
    %add3A = arith.constant 14 : i32
    %add3A_0 = arith.addi %add3A, %arg0 : i32
    %c0_i32 = arith.constant 0 : i32
    %c0_i32_1 = arith.constant 0 : i32
    return %add3A_0, %c0_i32 : i32, i32
  }
  func.func @transform_8(%arg0: i32) -> (i32, i32) {
    %c0_i32 = arith.constant 0 : i32
    %c0_i32_0 = arith.constant 0 : i32
    return %c0_i32, %arg0 : i32, i32
  }
  func.func @transform_9(%arg0: i32) -> (i32, i32) {
    %c0_i32 = arith.constant 0 : i32
    %c0_i32_0 = arith.constant 0 : i32
    return %c0_i32, %arg0 : i32, i32
  }
  func.func @transform_10(%arg0: i32) -> (i32, i32) {
    %c0_i32 = arith.constant 0 : i32
    %c0_i32_0 = arith.constant 0 : i32
    return %c0_i32, %arg0 : i32, i32
  }
  func.func @transform_11(%arg0: i32) -> (i32, i32) {
    %c0_i32 = arith.constant 0 : i32
    %c0_i32_0 = arith.constant 0 : i32
    return %c0_i32, %arg0 : i32, i32
  }
  func.func @transform_12(%arg0: i32) -> (i32, i32) {
    %c0_i32 = arith.constant 0 : i32
    %c0_i32_0 = arith.constant 0 : i32
    return %c0_i32, %arg0 : i32, i32
  }
  func.func @transform_13(%arg0: i32) -> (i32, i32) {
    %c0_i32 = arith.constant 0 : i32
    %c0_i32_0 = arith.constant 0 : i32
    return %c0_i32, %arg0 : i32, i32
  }
  func.func @transform_14(%arg0: i32) -> (i32, i32) {
    %c0_i32 = arith.constant 0 : i32
    %c0_i32_0 = arith.constant 0 : i32
    return %c0_i32, %arg0 : i32, i32
  }
  func.func @transform_15(%arg0: i32) -> (i32, i32) {
    %c0_i32 = arith.constant 0 : i32
    %c0_i32_0 = arith.constant 0 : i32
    return %c0_i32, %arg0 : i32, i32
  }
}

module attributes {stable_mosaic.version = 14 : i64} {
  func.func @_dot_body(%arg0: memref<1x16384xf32, #tpu.memory_space<vmem>>, %arg1: memref<1x2048xf32, #tpu.memory_space<vmem>>, %arg2: memref<1x2048xf32, #tpu.memory_space<vmem>>, %arg3: memref<1x2048xf32, #tpu.memory_space<vmem>>, %arg4: memref<1x2048xf32, #tpu.memory_space<vmem>>, %arg5: memref<1x2048xf32, #tpu.memory_space<vmem>>, %arg6: memref<1x2048xf32, #tpu.memory_space<vmem>>, %arg7: memref<1x2048xf32, #tpu.memory_space<vmem>>, %arg8: memref<1x2048xf32, #tpu.memory_space<vmem>>, %arg9: memref<1x1xf32, #tpu.memory_space<smem>>) attributes {dimension_semantics = [], scalar_prefetch = 0 : i64, scratch_operands = 0 : i64, tpu.core_type = #tpu.core_type<tc>} {
    %get3A = arith.constant 0 : index
    %get3A_0 = arith.constant 0 : index
    %get3A_1 = vector.load %arg0[%get3A, %get3A_0] : memref<1x16384xf32, #tpu.memory_space<vmem>>, vector<1x16384xf32>
    %slice3A = vector.extract_strided_slice %get3A_1 {offsets = [0, 0], sizes = [1, 2048], strides = [1, 1]} : vector<1x16384xf32> to vector<1x2048xf32>
    %get3A_2 = arith.constant 0 : index
    %get3A_3 = arith.constant 0 : index
    %get3A_4 = vector.load %arg1[%get3A_2, %get3A_3] : memref<1x2048xf32, #tpu.memory_space<vmem>>, vector<1x2048xf32>
    %mul3A = arith.mulf %slice3A, %get3A_4 : vector<1x2048xf32>
    %reduce_sum3A = vector.shape_cast %mul3A : vector<1x2048xf32> to vector<1x1x2048xf32>
    %reduce_sum3A_5 = arith.constant dense<0.000000e+00> : vector<1xf32>
    %reduce_sum3A_6 = vector.multi_reduction <add>, %reduce_sum3A, %reduce_sum3A_5 [1, 2] : vector<1x1x2048xf32> to vector<1xf32>
    %reduce_sum3A_7 = vector.shape_cast %reduce_sum3A_6 : vector<1xf32> to vector<1x1x1xf32>
    %reduce_sum3A_8 = vector.extract %reduce_sum3A_7[0, 0, 0] : f32 from vector<1x1x1xf32>
    %add3A = arith.constant 0.000000e+00 : f32
    %add3A_9 = arith.addf %add3A, %reduce_sum3A_8 : f32
    %slice3A_10 = vector.extract_strided_slice %get3A_1 {offsets = [0, 2048], sizes = [1, 2048], strides = [1, 1]} : vector<1x16384xf32> to vector<1x2048xf32>
    %get3A_11 = arith.constant 0 : index
    %get3A_12 = arith.constant 0 : index
    %get3A_13 = vector.load %arg2[%get3A_11, %get3A_12] : memref<1x2048xf32, #tpu.memory_space<vmem>>, vector<1x2048xf32>
    %mul3A_14 = arith.mulf %slice3A_10, %get3A_13 : vector<1x2048xf32>
    %reduce_sum3A_15 = vector.shape_cast %mul3A_14 : vector<1x2048xf32> to vector<1x1x2048xf32>
    %reduce_sum3A_16 = arith.constant dense<0.000000e+00> : vector<1xf32>
    %reduce_sum3A_17 = vector.multi_reduction <add>, %reduce_sum3A_15, %reduce_sum3A_16 [1, 2] : vector<1x1x2048xf32> to vector<1xf32>
    %reduce_sum3A_18 = vector.shape_cast %reduce_sum3A_17 : vector<1xf32> to vector<1x1x1xf32>
    %reduce_sum3A_19 = vector.extract %reduce_sum3A_18[0, 0, 0] : f32 from vector<1x1x1xf32>
    %add3A_20 = arith.addf %add3A_9, %reduce_sum3A_19 : f32
    %slice3A_21 = vector.extract_strided_slice %get3A_1 {offsets = [0, 4096], sizes = [1, 2048], strides = [1, 1]} : vector<1x16384xf32> to vector<1x2048xf32>
    %get3A_22 = arith.constant 0 : index
    %get3A_23 = arith.constant 0 : index
    %get3A_24 = vector.load %arg3[%get3A_22, %get3A_23] : memref<1x2048xf32, #tpu.memory_space<vmem>>, vector<1x2048xf32>
    %mul3A_25 = arith.mulf %slice3A_21, %get3A_24 : vector<1x2048xf32>
    %reduce_sum3A_26 = vector.shape_cast %mul3A_25 : vector<1x2048xf32> to vector<1x1x2048xf32>
    %reduce_sum3A_27 = arith.constant dense<0.000000e+00> : vector<1xf32>
    %reduce_sum3A_28 = vector.multi_reduction <add>, %reduce_sum3A_26, %reduce_sum3A_27 [1, 2] : vector<1x1x2048xf32> to vector<1xf32>
    %reduce_sum3A_29 = vector.shape_cast %reduce_sum3A_28 : vector<1xf32> to vector<1x1x1xf32>
    %reduce_sum3A_30 = vector.extract %reduce_sum3A_29[0, 0, 0] : f32 from vector<1x1x1xf32>
    %add3A_31 = arith.addf %add3A_20, %reduce_sum3A_30 : f32
    %slice3A_32 = vector.extract_strided_slice %get3A_1 {offsets = [0, 6144], sizes = [1, 2048], strides = [1, 1]} : vector<1x16384xf32> to vector<1x2048xf32>
    %get3A_33 = arith.constant 0 : index
    %get3A_34 = arith.constant 0 : index
    %get3A_35 = vector.load %arg4[%get3A_33, %get3A_34] : memref<1x2048xf32, #tpu.memory_space<vmem>>, vector<1x2048xf32>
    %mul3A_36 = arith.mulf %slice3A_32, %get3A_35 : vector<1x2048xf32>
    %reduce_sum3A_37 = vector.shape_cast %mul3A_36 : vector<1x2048xf32> to vector<1x1x2048xf32>
    %reduce_sum3A_38 = arith.constant dense<0.000000e+00> : vector<1xf32>
    %reduce_sum3A_39 = vector.multi_reduction <add>, %reduce_sum3A_37, %reduce_sum3A_38 [1, 2] : vector<1x1x2048xf32> to vector<1xf32>
    %reduce_sum3A_40 = vector.shape_cast %reduce_sum3A_39 : vector<1xf32> to vector<1x1x1xf32>
    %reduce_sum3A_41 = vector.extract %reduce_sum3A_40[0, 0, 0] : f32 from vector<1x1x1xf32>
    %add3A_42 = arith.addf %add3A_31, %reduce_sum3A_41 : f32
    %slice3A_43 = vector.extract_strided_slice %get3A_1 {offsets = [0, 8192], sizes = [1, 2048], strides = [1, 1]} : vector<1x16384xf32> to vector<1x2048xf32>
    %get3A_44 = arith.constant 0 : index
    %get3A_45 = arith.constant 0 : index
    %get3A_46 = vector.load %arg5[%get3A_44, %get3A_45] : memref<1x2048xf32, #tpu.memory_space<vmem>>, vector<1x2048xf32>
    %mul3A_47 = arith.mulf %slice3A_43, %get3A_46 : vector<1x2048xf32>
    %reduce_sum3A_48 = vector.shape_cast %mul3A_47 : vector<1x2048xf32> to vector<1x1x2048xf32>
    %reduce_sum3A_49 = arith.constant dense<0.000000e+00> : vector<1xf32>
    %reduce_sum3A_50 = vector.multi_reduction <add>, %reduce_sum3A_48, %reduce_sum3A_49 [1, 2] : vector<1x1x2048xf32> to vector<1xf32>
    %reduce_sum3A_51 = vector.shape_cast %reduce_sum3A_50 : vector<1xf32> to vector<1x1x1xf32>
    %reduce_sum3A_52 = vector.extract %reduce_sum3A_51[0, 0, 0] : f32 from vector<1x1x1xf32>
    %add3A_53 = arith.addf %add3A_42, %reduce_sum3A_52 : f32
    %slice3A_54 = vector.extract_strided_slice %get3A_1 {offsets = [0, 10240], sizes = [1, 2048], strides = [1, 1]} : vector<1x16384xf32> to vector<1x2048xf32>
    %get3A_55 = arith.constant 0 : index
    %get3A_56 = arith.constant 0 : index
    %get3A_57 = vector.load %arg6[%get3A_55, %get3A_56] : memref<1x2048xf32, #tpu.memory_space<vmem>>, vector<1x2048xf32>
    %mul3A_58 = arith.mulf %slice3A_54, %get3A_57 : vector<1x2048xf32>
    %reduce_sum3A_59 = vector.shape_cast %mul3A_58 : vector<1x2048xf32> to vector<1x1x2048xf32>
    %reduce_sum3A_60 = arith.constant dense<0.000000e+00> : vector<1xf32>
    %reduce_sum3A_61 = vector.multi_reduction <add>, %reduce_sum3A_59, %reduce_sum3A_60 [1, 2] : vector<1x1x2048xf32> to vector<1xf32>
    %reduce_sum3A_62 = vector.shape_cast %reduce_sum3A_61 : vector<1xf32> to vector<1x1x1xf32>
    %reduce_sum3A_63 = vector.extract %reduce_sum3A_62[0, 0, 0] : f32 from vector<1x1x1xf32>
    %add3A_64 = arith.addf %add3A_53, %reduce_sum3A_63 : f32
    %slice3A_65 = vector.extract_strided_slice %get3A_1 {offsets = [0, 12288], sizes = [1, 2048], strides = [1, 1]} : vector<1x16384xf32> to vector<1x2048xf32>
    %get3A_66 = arith.constant 0 : index
    %get3A_67 = arith.constant 0 : index
    %get3A_68 = vector.load %arg7[%get3A_66, %get3A_67] : memref<1x2048xf32, #tpu.memory_space<vmem>>, vector<1x2048xf32>
    %mul3A_69 = arith.mulf %slice3A_65, %get3A_68 : vector<1x2048xf32>
    %reduce_sum3A_70 = vector.shape_cast %mul3A_69 : vector<1x2048xf32> to vector<1x1x2048xf32>
    %reduce_sum3A_71 = arith.constant dense<0.000000e+00> : vector<1xf32>
    %reduce_sum3A_72 = vector.multi_reduction <add>, %reduce_sum3A_70, %reduce_sum3A_71 [1, 2] : vector<1x1x2048xf32> to vector<1xf32>
    %reduce_sum3A_73 = vector.shape_cast %reduce_sum3A_72 : vector<1xf32> to vector<1x1x1xf32>
    %reduce_sum3A_74 = vector.extract %reduce_sum3A_73[0, 0, 0] : f32 from vector<1x1x1xf32>
    %add3A_75 = arith.addf %add3A_64, %reduce_sum3A_74 : f32
    %slice3A_76 = vector.extract_strided_slice %get3A_1 {offsets = [0, 14336], sizes = [1, 2048], strides = [1, 1]} : vector<1x16384xf32> to vector<1x2048xf32>
    %get3A_77 = arith.constant 0 : index
    %get3A_78 = arith.constant 0 : index
    %get3A_79 = vector.load %arg8[%get3A_77, %get3A_78] : memref<1x2048xf32, #tpu.memory_space<vmem>>, vector<1x2048xf32>
    %mul3A_80 = arith.mulf %slice3A_76, %get3A_79 : vector<1x2048xf32>
    %reduce_sum3A_81 = vector.shape_cast %mul3A_80 : vector<1x2048xf32> to vector<1x1x2048xf32>
    %reduce_sum3A_82 = arith.constant dense<0.000000e+00> : vector<1xf32>
    %reduce_sum3A_83 = vector.multi_reduction <add>, %reduce_sum3A_81, %reduce_sum3A_82 [1, 2] : vector<1x1x2048xf32> to vector<1xf32>
    %reduce_sum3A_84 = vector.shape_cast %reduce_sum3A_83 : vector<1xf32> to vector<1x1x1xf32>
    %reduce_sum3A_85 = vector.extract %reduce_sum3A_84[0, 0, 0] : f32 from vector<1x1x1xf32>
    %add3A_86 = arith.addf %add3A_75, %reduce_sum3A_85 : f32
    %swap3A = arith.constant 0 : index
    %swap3A_87 = arith.constant 0 : index
    %swap3A_88 = memref.load %arg9[%swap3A, %swap3A_87] : memref<1x1xf32, #tpu.memory_space<smem>>
    memref.store %add3A_86, %arg9[%swap3A, %swap3A_87] : memref<1x1xf32, #tpu.memory_space<smem>>
    return
  }
}

</mosaic_0001>

<sc_bundles>
// kernel: kernel.5.cloned.1.call-start
scs
__scs_entry_jumppad:
0x0: {  	(pc) =	sbr.rel $0x88, $3  }
0x1: {  	(tag) =	ssettag $0x0;
	lr =	simm.s32 $0x1  }
0x2: {  	[smem:$0x3F9E] =	sst lr;
	_ =	strace $0xD0000000  }
0x3: {  	_ = 	snop  }
0x4: {  	_ = 	snop  }
0x5: {  	_ = 	snop  }
0x6: {  	_ = 	snop  }
0x7: {  	_ = 	snop  }
__scs_overlays_trampoline_lowered:
0x8: {  	[smem:$0x3FAD] =	sst s0  }
0x9: {  	[smem:$0x3FAE] =	sst s1  }
0xa: {  	[smem:$0x3FAF] =	sst s2  }
0xb: {  	[smem:$0x3FB0] =	sst s3  }
0xc: {  	[smem:$0x3FB1] =	sst s4  }
0xd: {  	[smem:$0x3FB2] =	sst s5  }
0xe: {  	[smem:$0x3FB3] =	sst s6  }
0xf: {  	[smem:$0x3FB4] =	sst s7  }
0x10: {  	[smem:$0x3FB5] =	sst s8  }
0x11: {  	[smem:$0x3FB6] =	sst s9;
	s0 =	simm.s32 @!p0 $0x0  }
0x12: {  	s1 =	sld [smem:$0x3F9C];
	s0 =	simm.s32 @p0 $0x1  }
0x13: {  	[smem:$0x3FB7] =	sst s0;
	s0 =	simm.s32 @!p1 $0x0  }
0x14: {  	s2 =	sld [smem:$0x3F9B];
	s0 =	simm.s32 @p1 $0x1  }
0x15: {  	[smem:$0x3FB8] =	sst s0;
	s0 =	simm.s32 @!p2 $0x0  }
0x16: {  	s3 =	sld [smem:$0x3FDB];
	s0 =	simm.s32 @p2 $0x1  }
0x17: {  	s4 =	simm.s32 $0x1BF5;
	[smem:$0x3FBA] =	sst s0  }
0x18: {  	s0 =	sld [smem:$0x3F9D];
	_ =	swait.ge [sflag:s4], $0x0  }
0x19: {  	s7 =	sld [smem:$0x3F9E]  }
0x1a: {  	s8 =	sadd.s32 $0xFFFFE003, lr  }
0x1b: {  	s9 =	sadd.s32 $0xFFFFFEF7, lr;
	s5 =	simm.s32 $0xFFFFFFFF;
	p2 =	slt.u32 s8, $0xFFFFF086  }
0x1c: {  	p1 =	slt.u32 s9, $0xF7A;
	s5 =	simm.s32 @!p2 $0x0  }
0x1d: {  	s5 =	simm.s32 @p1 $0x1;
	p0 =	seq.s32 s7, s2  }
0x1e: {  	s7 =	smul.u32 @!p0 $0xF7A, s2;
	p2 =	seq.s32 @!p0 s5, $0x0  }
0x1f: {  	s9 =	smul.u32 $0xF7A, s1;
	s8 =	simm.s32 @!p0 $0x1BF5;
	p2 =	por !p2, p0  }
0x20: {  	[sflag:s8] =	ssyncset.s32 @!p0 $0xFFFFF086;
	s6 =	sadd.s32 @!p0 s3, s7;
	s7 =	simm.s32 @!p0 $0x108  }
0x21: {  	s3 =	sadd.s32 s3, s9;
	s6 =	sadd.s32 @!p0 $0x88, s6;
	s7 =	simm.s32 @p2 $0x1082  }
0x22: {  	[simem:s7], [sflag:s8] =	dma.local @!p0 [hbm:s6], $0xF7A  }
0x23: {  	s9 =	sor.u32 $0xD0000000, s2;
	s6 =	simm.s32 $0x108;
	_ =	swait.ge @!p0 [sflag:s8], $0x0  }
0x24: {  	s3 =	sadd.s32 $0x88, s3;
	s6 =	simm.s32 @!p1 $0x1082;
	[sflag:s4] =	ssyncset.s32 $0xFFFFF086  }
0x25: {  	[simem:s6], [sflag:s4] =	dma.local [hbm:s3], $0xF7A  }
0x26: {  	[smem:$0x3F9E] =	sst s1;
	(tag) =	ssettag s2;
	_ =	strace s9  }
0x27: {  	s1 =	sld [smem:$0x3FAE]  }
0x28: {  	s2 =	sld [smem:$0x3FAF]  }
0x29: {  	s4 =	sld [smem:$0x3FB1]  }
0x2a: {  	p0 =	seq.s32 s5, $0x0;
	s5 =	sld [smem:$0x3FB2]  }
0x2b: {  	s6 =	sld [smem:$0x3FB3]  }
0x2c: {  	s7 =	sld [smem:$0x3FB4]  }
0x2d: {  	s3 =	simm.s32 $0x108;
	s8 =	sld [smem:$0x3FB5]  }
0x2e: {  	s3 =	simm.s32 @!p0 $0x1082;
	s9 =	sld [smem:$0x3FB6]  }
0x2f: {  	lr =	sadd.s32 s0, s3;
	s0 =	sld [smem:$0x3FAD]  }
0x30: {  	s3 =	sld [smem:$0x3FB0]  }
0x31: {  	[smem:$0x3FB9] =	sst s10  }
0x32: {  	s10 =	sld [smem:$0x3FB7];
	_ =	sdelay $0x3  }
0x33: {  	p0 =	seq.s32 s10, $0x1;
	s10 =	sld [smem:$0x3FB9];
	_ =	sdelay $0x3  }
0x34: {  	[smem:$0x3FB9] =	sst s10  }
0x35: {  	s10 =	sld [smem:$0x3FB8];
	_ =	sdelay $0x3  }
0x36: {  	p1 =	seq.s32 s10, $0x1;
	s10 =	sld [smem:$0x3FB9];
	_ =	sdelay $0x3  }
0x37: {  	[smem:$0x3FB9] =	sst s10  }
0x38: {  	s10 =	sld [smem:$0x3FBA]  }
0x39: {  	_ = 	snop;
	(pc) =	sbr.ind lr, $3  }
0x3a: {  	_ = 	snop  }
0x3b: {  	_ = 	snop  }
0x3c: {  	p2 =	seq.s32 s10, $0x1;
	s10 =	sld [smem:$0x3FB9]  }
0x3d: {  	_ =	shalt  }
0x3e: {  	_ =	shalt  }
0x3f: {  	_ =	shalt  }
0x40: {  	_ =	shalt  }
0x41: {  	_ =	shalt  }
0x42: {  	_ =	shalt  }
0x43: {  	_ =	shalt  }
0x44: {  	_ =	shalt  }
0x45: {  	_ =	shalt  }
0x46: {  	_ =	shalt  }
0x47: {  	_ =	shalt  }
0x48: {  	_ =	shalt  }
0x49: {  	_ =	shalt  }
0x4a: {  	_ =	shalt  }
0x4b: {  	_ =	shalt  }
0x4c: {  	_ =	shalt  }
0x4d: {  	_ =	shalt  }
0x4e: {  	_ =	shalt  }
0x4f: {  	_ =	shalt  }
0x50: {  	_ =	shalt  }
0x51: {  	_ =	shalt  }
0x52: {  	_ =	shalt  }
0x53: {  	_ =	shalt  }
0x54: {  	_ =	shalt  }
0x55: {  	_ =	shalt  }
0x56: {  	_ =	shalt  }
0x57: {  	_ =	shalt  }
0x58: {  	_ =	shalt  }
0x59: {  	_ =	shalt  }
0x5a: {  	_ =	shalt  }
0x5b: {  	_ =	shalt  }
0x5c: {  	_ =	shalt  }
0x5d: {  	_ =	shalt  }
0x5e: {  	_ =	shalt  }
0x5f: {  	_ =	shalt  }
0x60: {  	_ =	shalt  }
0x61: {  	_ =	shalt  }
0x62: {  	_ =	shalt  }
0x63: {  	_ =	shalt  }
0x64: {  	_ =	shalt  }
0x65: {  	_ =	shalt  }
0x66: {  	_ =	shalt  }
0x67: {  	_ =	shalt  }
0x68: {  	_ =	shalt  }
0x69: {  	_ =	shalt  }
0x6a: {  	_ =	shalt  }
0x6b: {  	_ =	shalt  }
0x6c: {  	_ =	shalt  }
0x6d: {  	_ =	shalt  }
0x6e: {  	_ =	shalt  }
0x6f: {  	_ =	shalt  }
0x70: {  	_ =	shalt  }
0x71: {  	_ =	shalt  }
0x72: {  	_ =	shalt  }
0x73: {  	_ =	shalt  }
0x74: {  	_ =	shalt  }
0x75: {  	_ =	shalt  }
0x76: {  	_ =	shalt  }
0x77: {  	_ =	shalt  }
0x78: {  	_ =	shalt  }
0x79: {  	_ =	shalt  }
0x7a: {  	_ =	shalt  }
0x7b: {  	_ =	shalt  }
0x7c: {  	_ =	shalt  }
0x7d: {  	_ =	shalt  }
0x7e: {  	_ =	shalt  }
0x7f: {  	_ =	shalt  }
0x80: {  	_ =	shalt  }
0x81: {  	_ =	shalt  }
0x82: {  	_ =	shalt  }
0x83: {  	_ =	shalt  }
0x84: {  	_ =	shalt  }
0x85: {  	_ =	shalt  }
0x86: {  	_ =	shalt  }
0x87: {  	_ =	shalt  }
.Lfunc_end0:
.L_simem_size_0:
called_computation_lowered:
.L_overlay_start_0:
0x88: {  	s2 =	sld [smem:$0x3FD9]  }
0x89: {  	s3 =	sld [smem:$0x3FFE];
	_ =	sdelay $0x1  }
0x8a: {  	s1 =	srdreg.scid  }
0x8b: {  	s0 =	sand.u32 $0x1, s1  }
0x8c: {  	s17 =	sshll.u32 s0, $0xA;
	s2 =	sadd.s32 s3, s2  }
0x8d: {  	s2 =	sadd.s32 s2, s17  }
0x8e: {  	[smem:$0x3FC5] =	sst s2  }
0x8f: {  	_ = 	snop  }
0x90: {  	s2 =	sld [smem:$0x3FC8];
	(tm) =	ssettm $0x1  }
0x91: {  	s18 =	sld [smem:$0x3FFB];
	_ =	sdelay $0x3  }
0x92: {  	_ =	strace s18  }
0x93: {  	s3 =	sld [smem:$0x3FFC];
	_ =	sdelay $0x3  }
0x94: {  	_ =	strace s3  }
0x95: {  	s3 =	sld [smem:$0x3FFD];
	_ =	sdelay $0x3  }
0x96: {  	_ =	strace s3  }
0x97: {  	_ =	strace $0x8FFFFFFF  }
0x98: {  	s19 =	sld [smem:$0x3FDB];
	_ =	sdelay $0x1  }
0x99: {  	s4 =	simm.s32 $_scs_section_size  }
0x9a: {  	s5 =	simm.s32 $_size__tile_overlayer_lowered;
	s6 =	simm.s32 $_tile_overlayer_lowered  }
0x9b: {  	s22 =	simm.s32 $0x1BFF;
	s21 =	sshll.u32 s6, $0x1;
	s3 =	sadd.s32 s4, s19  }
0x9c: {  	s7 =	simm.s32 $0x0;
	s20 =	sshll.u32 s5, $0x1;
	s5 =	sadd.s32 s21, s3  }
0x9d: {  	[timem:s7], [sflag:s22] =	dma.local [hbm:s5], s20  }
0x9e: {  	_ =	swait.ge [sflag:s22], s20  }
0x9f: {  	s4 =	ssub.s32 $0x0, s20;
	[sflag:s22] =	ssyncset.done $0x0  }
0xa0: {  	[sflag:s22] =	ssyncadd.s32 s4;
	_ =	sdelay $0x1  }
0xa1: {  	s23 =	simm.s32 $0x1B8B  }
0xa2: {  	_ =	swait.ge [sflag:s23], $0x1  }
0xa3: {  	[sflag:s23] =	ssyncset.done $0x0  }
0xa4: {  	s25 =	simm.s32 $0x1B8E;
	s24 =	sld [smem:$0x3FFE];
	[sflag:s23] =	ssyncadd.s32 $0xFFFFFFFF  }
0xa5: {  	s26 =	simm.s32 $execute0_lowered;
	[smem:$0x3FD2] =	sst s25  }
0xa6: {  	s5 =	sshll.u32 s26, $0x1;
	_ =	strace $0x80000046;
	[dreg:$0x1] =	wrdreg $0xFFFFFFFF  }
0xa7: {  	s28 =	simm.s32 $_size_execute0_lowered;
	s3 =	sadd.s32 s3, s5;
	[dreg:$0x0] =	wrdreg $0x0  }
0xa8: {  	s5 =	sshll.u32 s28, $0x1;
	[dreg:$0x2] =	wrdreg s3  }
0xa9: {  	[dreg:$0x3] =	wrdreg s5  }
0xaa: {  	[dreg:$0x4] =	wrdreg $0xC0  }
0xab: {  	_ =	task [dreg:s7], $0x5FFFF  }
0xac: {  	[dreg:$0x1] =	wrdreg $0xFFFFFFFF  }
0xad: {  	[dreg:$0x0] =	wrdreg $0x60  }
0xae: {  	[dreg:$0x2] =	wrdreg s2  }
0xaf: {  	[dreg:$0x3] =	wrdreg s24  }
0xb0: {  	[dreg:$0x4] =	wrdreg $0x9  }
0xb1: {  	_ =	task.clear_ibuf [dreg:s7], $0x5FFFF;
	_ =	strace $0x90000046  }
0xb2: {  	s29 =	simm.s32 $0x9;
	_ =	strace $0x80000048  }
0xb3: {  	_ =	swait.ge [sflag:s29], $0x1  }
0xb4: {  	[sflag:s29] =	ssyncadd.s32 $0xFFFFFFFF  }
0xb5: {  	_ =	strace $0x90000048  }
0xb6: {  	_ =	sfence  }
0xb7: {  	s30 =	sld [smem:$0x0];
	_ =	sdelay $0x2  }
0xb8: {  	s31 =	sshll.u32 s1, $0xD;
	s1 =	sshrl.u32 s1, $0x2  }
0xb9: {  	s3 =	sand.u32 $0x4000, s31;
	s1 =	sadd.s32 s1, s30  }
0xba: {  	s0 =	sor.u32 s3, s0;
	s1 =	sshll.u32 s1, $0x11  }
0xbb: {  	s0 =	sor.u32 s1, s0  }
0xbc: {  	s0 =	sadd.s32 $0x8F2B, s0  }
0xbd: {  	[sflag:s0] =	ssyncadd.remote.s32 $0x1  }
0xbe: {  	_ =	sfence.sel $0xFFFF  }
0xbf: {  	[dreg:$0x0] =	wrdreg $0xFFFFFFFF;
	(pc) =	sbr.abs _section_cstart, $3  }
0xc0: {  	[dreg:$0x1] =	wrdreg $0xFFFFFFFF  }
0xc1: {  	_ =	task.clear_ibuf [dreg:s7], $0x2FFFF;
	_ =	strace $0x9FFFFFFF  }
0xc2: {  	(tm) =	ssettm $0x7FFFFFFF  }
0xc3: {  	_ =	shalt  }
tec
execute0_lowered:
.L_overlay_start_1:
0x0: {  	(tag) =	ssettag $0x1  }
0x1: {  	s3 =	rddreg [dreg:$0x0]  }
0x2: {  	s14 =	rddreg [dreg:$0x1];
	s2 =	srdreg.scid  }
0x3: {  	s0 =	rddreg [dreg:$0x2];
	s1 =	stileid.u32;
	s15 =	sand.u32 $0x1, s2  }
0x4: {  	s2 =	simm.s32 $0x0;
	s4 =	sshll.u32 s1, $0x7;
	s5 =	sshll.u32 s15, $0x6  }
0x5: {  	[smem:$0x7FF] =	sst s2;
	s16 =	sor.u32 s5, s4  }
0x6: {  	_ =	strace $0x80000047;
	s4 =	sadd.s32 s3, s16;
	s3 =	simm.s32 $0x2  }
0x7: {  	[tilespmem:s2], [sflag:$0x2] =	stream.linear.gather [hbm4b:s4+s2], $0x200, $0x38;
	[tilespmem:$0x400] =	vst v63  }
0x8: {  	_ =	swait.ge [sflag:s3], $0x200  }
0x9: {  	s6 =	simm.s32 $0x80;
	[sflag:s3] =	ssyncset.done $0x0  }
0xa: {  	s7 =	simm.s32 $0x200;
	s5 =	sadd.s32 $0x600, s14;
	[sflag:s3] =	ssyncadd.s32 $0xFFFFFE00  }
0xb: {  	[tilespmem:s7], [sflag:$0x1] =	stream.indirect.gather [hbm4b:s5+s6], $0x1, s2, s6, $0xb8;
	[tilespmem:$0x400] =	vst v63  }
0xc: {  	s8 =	simm.s32 $0x280  }
0xd: {  	[tilespmem:s8], [sflag:$0x1] =	stream.indirect.gather [hbm4b:s5+s6], $0x1, s6, s6, $0xb8;
	[tilespmem:$0x400] =	vst v63  }
0xe: {  	s9 =	simm.s32 $0x100;
	s10 =	simm.s32 $0x300  }
0xf: {  	[tilespmem:s10], [sflag:$0x1] =	stream.indirect.gather [hbm4b:s5+s6], $0x1, s9, s6, $0xb8;
	[tilespmem:$0x400] =	vst v63  }
0x10: {  	s11 =	simm.s32 $0x180;
	s12 =	simm.s32 $0x380;
	s13 =	simm.s32 $0x1  }
0x11: {  	[tilespmem:s12], [sflag:$0x1] =	stream.indirect.gather [hbm4b:s5+s6], $0x1, s11, s6, $0xb8;
	[tilespmem:$0x400] =	vst v63  }
0x12: {  	_ =	swait.ge [sflag:s13], $0x80  }
0x13: {  	[sflag:s13] =	ssyncset.done $0x0  }
0x14: {  	[sflag:s13] =	ssyncadd.s32 $0xFFFFFF80  }
0x15: {  	_ =	swait.ge [sflag:s13], $0x80  }
0x16: {  	[sflag:s13] =	ssyncset.done $0x0  }
0x17: {  	s15 =	ssub.s32 $0x2, s15;
	[sflag:s13] =	ssyncadd.s32 $0xFFFFFF80  }
0x18: {  	s17 =	sshrl.u32 s15, $0x1;
	_ =	swait.ge [sflag:s13], $0x80  }
0x19: {  	s15 =	ssub.s32 s15, s17;
	[sflag:s13] =	ssyncset.done $0x0  }
0x1a: {  	s15 =	smax.u32 s15, $0x1;
	[sflag:s13] =	ssyncadd.s32 $0xFFFFFF80  }
0x1b: {  	p0 =	sne.s32 s15, $0x1;
	_ =	swait.ge [sflag:s13], $0x80  }
.Ltmp0:
0x1c: {  	s14 =	sadd.s32 s16, s14;
	[sflag:s13] =	ssyncset.done $0x0;
	(pc) =	sbr.rel @!p0 .LBB2_2-.Ltmp0, $4  }
0x1d: {  	s14 =	sadd.s32 $0x3800, s14;
	[sflag:s13] =	ssyncadd.s32 $0xFFFFFF80  }
0x1e: {  	[hbm4b:s14+s2] =	stream.linear.scatter [tilespmem:s7], [sflag:$0x2], $0x200, $0x38;
	[tilespmem:$0x400] =	vst v63  }
0x1f: {  	_ =	swait.ge [sflag:s3], $0x200  }
0x20: {  	s15 =	sadd.s32 $0xFFFFFFFF, s15;
	[sflag:s3] =	ssyncset.done $0x0  }
.LBB2_1:
0x21: {  	p0 =	sne.s32 s15, $0x1;
	s15 =	sadd.s32 $0xFFFFFFFF, s15;
	[sflag:s3] =	ssyncadd.s32 $0xFFFFFE00  }
0x22: {  	[tilespmem:s2], [sflag:$0x2] =	stream.linear.gather [hbm4b:s4+s2], $0x200, $0x38;
	[tilespmem:$0x400] =	vst v63  }
0x23: {  	_ =	swait.ge [sflag:s3], $0x200  }
0x24: {  	[sflag:s3] =	ssyncset.done $0x0  }
0x25: {  	[sflag:s3] =	ssyncadd.s32 $0xFFFFFE00  }
0x26: {  	[tilespmem:s7], [sflag:$0x1] =	stream.indirect.gather [hbm4b:s5+s6], $0x1, s2, s6, $0xb8;
	[tilespmem:$0x400] =	vst v63  }
0x27: {  	_ = 	snop  }
0x28: {  	[tilespmem:s8], [sflag:$0x1] =	stream.indirect.gather [hbm4b:s5+s6], $0x1, s6, s6, $0xb8;
	[tilespmem:$0x400] =	vst v63  }
0x29: {  	_ = 	snop  }
0x2a: {  	[tilespmem:s10], [sflag:$0x1] =	stream.indirect.gather [hbm4b:s5+s6], $0x1, s9, s6, $0xb8;
	[tilespmem:$0x400] =	vst v63  }
0x2b: {  	_ = 	snop  }
0x2c: {  	[tilespmem:s12], [sflag:$0x1] =	stream.indirect.gather [hbm4b:s5+s6], $0x1, s11, s6, $0xb8;
	[tilespmem:$0x400] =	vst v63  }
0x2d: {  	_ =	swait.ge [sflag:s13], $0x80  }
0x2e: {  	[sflag:s13] =	ssyncset.done $0x0  }
0x2f: {  	[sflag:s13] =	ssyncadd.s32 $0xFFFFFF80  }
0x30: {  	_ =	swait.ge [sflag:s13], $0x80  }
0x31: {  	[sflag:s13] =	ssyncset.done $0x0  }
0x32: {  	[sflag:s13] =	ssyncadd.s32 $0xFFFFFF80  }
0x33: {  	_ =	swait.ge [sflag:s13], $0x80  }
0x34: {  	[sflag:s13] =	ssyncset.done $0x0  }
0x35: {  	[sflag:s13] =	ssyncadd.s32 $0xFFFFFF80  }
0x36: {  	_ =	swait.ge [sflag:s13], $0x80  }
.Ltmp1:
0x37: {  	[sflag:s13] =	ssyncset.done $0x0;
	(pc) =	sbr.rel @p0 .LBB2_1-.Ltmp1, $4  }
0x38: {  	[sflag:s13] =	ssyncadd.s32 $0xFFFFFF80  }
0x39: {  	[hbm4b:s14+s2] =	stream.linear.scatter [tilespmem:s7], [sflag:$0x2], $0x200, $0x38;
	[tilespmem:$0x400] =	vst v63  }
0x3a: {  	_ =	swait.ge [sflag:s3], $0x200  }
0x3b: {  	[sflag:s3] =	ssyncset.done $0x0  }
.LBB2_2:
0x3c: {  	[sflag:s3] =	ssyncadd.s32 $0xFFFFFE00  }
0x3d: {  	_ =	sfence.sel $0x180000  }
0x3e: {  	[bflag:$0x0] =	sbarrier.arrive $0xFFFF  }
0x3f: {  	p0 =	sne.s32 s1, $0x0;
	_ =	strace $0x90000047  }
0x40: {  	s0 =	sadd.s32 @!p0 $0x100000, s0;
	[bflag:$0x2] =	sbarrier.arrive $0xFFFF  }
0x41: {  	[sflag:s0] =	ssyncadd.tile.s32 @!p0 $0x1;
	_ =	shalt  }
.Lfunc_end2:
_tile_overlayer_lowered:
.L_overlay_start_2:
0x42: {  	(tag) =	ssettag $0x2  }
0x43: {  	s0 =	rddreg [dreg:$0x0];
	s2 =	stileid.u32  }
0x44: {  	s1 =	rddreg [dreg:$0x1];
	p0 =	sne.s32 s2, $0x0  }
0x45: {  	s3 =	rddreg [dreg:$0x2];
	[bflag:$0x3] =	sbarrier.arrive $0xFFFF;
	s2 =	simm.s32 @!p0 $0x1C02  }
0x46: {  	[timem:s3], [sflag:s2] =	dma.local @!p0 [hbm:s0], s1  }
0x47: {  	s0 =	simm.s32 @!p0 $0x2  }
0x48: {  	_ =	swait.ge @!p0 [sflag:s0], s1  }
0x49: {  	s1 =	ssub.s32 @!p0 $0x0, s1;
	[sflag:s0] =	ssyncset.done @!p0 $0x0  }
0x4a: {  	[sflag:s0] =	ssyncadd.s32 @!p0 s1  }
0x4b: {  	[bflag:$0x3] =	sbarrier.arrive $0xFFFF  }
0x4c: {  	_ =	shalt  }

</sc_bundles>
